<compile_context>
chip_gen: v7x
topology: tpu7x:2x2x1
jax: 0.10.2.dev20260603
libtpu: 0.0.44.dev20260713+nightly
codegen_flags: <defaults>
</compile_context>

<pallas_src>
import functools
import math

import jax
import jax.numpy as jnp
from jax import lax
from jax.experimental import pallas as pl
from jax.experimental.pallas import tpu as pltpu
from jax.experimental.pallas import tpu_sc as plsc

_VOCAB = 32000
_HID = 1024
_B = 2
_S = 2048
_MLEN = 512
_KLEN = _MLEN + _S
_P = 256
_L = _KLEN + _S

_NC, _NS = 2, 16
_NW = _NC * _NS
_TOK = _B * _S
_RPW = _TOK // _NW
_CHUNK = 64


def _sc_embedding_gather(table, ids_flat):
    mesh = plsc.VectorSubcoreMesh(core_axis_name="c", subcore_axis_name="s")

    @functools.partial(
        pl.kernel,
        out_type=jax.ShapeDtypeStruct((_TOK, _HID), jnp.float32),
        mesh=mesh,
        scratch_types=[
            pltpu.VMEM((_RPW,), jnp.int32),
            pltpu.VMEM((_CHUNK, _HID), jnp.float32),
            pltpu.SemaphoreType.DMA,
        ],
    )
    def gather_kernel(table_hbm, idx_hbm, out_hbm, idx_v, rows_v, sem):
        wid = lax.axis_index("s") * _NC + lax.axis_index("c")
        base = wid * _RPW
        pltpu.sync_copy(idx_hbm.at[pl.ds(base, _RPW)], idx_v)
        for c in range(_RPW // _CHUNK):
            pltpu.async_copy(
                table_hbm.at[idx_v.at[pl.ds(c * _CHUNK, _CHUNK)]], rows_v, sem
            ).wait()
            pltpu.sync_copy(rows_v, out_hbm.at[pl.ds(base + c * _CHUNK, _CHUNK)])

    return gather_kernel(table, ids_flat)


_BQ = 256


def _mask_body(perm_ref, pm_ref, ttr_ref, ttc_ref, af_ref, ah_ref, seg_ref,
               pos_ref):
    b = pl.program_id(0)
    j = pl.program_id(1)
    perm = perm_ref[0]
    pm = pm_ref[0]
    ttr = ttr_ref[0]
    ttc = ttc_ref[0]
    ones_m = jnp.ones((_BQ, _MLEN), jnp.float32)
    masked = (perm + pm) > 0
    af = jnp.where(masked, 0.0, 1.0)
    af_ref[0, :, :_MLEN] = ones_m
    af_ref[0, :, _MLEN:] = af
    rows = j * _BQ + lax.broadcasted_iota(jnp.int32, (_BQ, _S), 0)
    cols = lax.broadcasted_iota(jnp.int32, (_BQ, _S), 1)
    ah = jnp.where(rows == cols, 1.0, af)
    ah_ref[0, :, :_MLEN] = ones_m
    ah_ref[0, :, _MLEN:] = ah
    seg_q = ttc != ttr
    seg_m = jnp.broadcast_to(ttc != 0, (_BQ, _MLEN))
    seg_ref[0, :, :_MLEN] = seg_m
    seg_ref[0, :, _MLEN:] = seg_q

    r = ((b * (_S // _BQ) + j) * _BL
         + lax.broadcasted_iota(jnp.int32, (_BL, _H2), 0))
    pos = (_KLEN - r).astype(jnp.float32)
    h = lax.broadcasted_iota(jnp.int32, (_BL, _H2), 1).astype(jnp.float32)
    inv = jnp.exp(h * (-2.0 * math.log(10000.0) / _HID))
    ang = pos * inv
    s = jnp.sin(ang)
    c = jnp.cos(ang)
    pos_ref[:, 0 * _H2:1 * _H2] = s
    pos_ref[:, 1 * _H2:2 * _H2] = c
    pos_ref[:, 2 * _H2:3 * _H2] = s
    pos_ref[:, 3 * _H2:4 * _H2] = c


def _masks(perm_mask, pm_row, tt_row, tt_col):
    return pl.pallas_call(
        _mask_body,
        grid=(_B, _S // _BQ),
        in_specs=[
            pl.BlockSpec((1, _BQ, _S), lambda b, j: (b, j, 0)),
            pl.BlockSpec((1, 1, _S), lambda b, j: (b, 0, 0)),
            pl.BlockSpec((1, 1, _S), lambda b, j: (b, 0, 0)),
            pl.BlockSpec((1, _BQ, 1), lambda b, j: (b, j, 0)),
        ],
        out_specs=[
            pl.BlockSpec((1, _BQ, _KLEN), lambda b, j: (b, j, 0)),
            pl.BlockSpec((1, _BQ, _KLEN), lambda b, j: (b, j, 0)),
            pl.BlockSpec((1, _BQ, _KLEN), lambda b, j: (b, j, 0)),
            pl.BlockSpec((_BL, 2 * _HID), lambda b, j: (b * 8 + j, 0)),
        ],
        out_shape=[
            jax.ShapeDtypeStruct((_B, _S, _KLEN), jnp.float32),
            jax.ShapeDtypeStruct((_B, _S, _KLEN), jnp.float32),
            jax.ShapeDtypeStruct((_B, _S, _KLEN), jnp.bool_),
            jax.ShapeDtypeStruct((_RL, 2 * _HID), jnp.float32),
        ],
    )(perm_mask, pm_row, tt_row, tt_col)


_RL = _B * _L // 2
_BL = _RL // 16
_H2 = _HID // 2


def _tm_body(tmv_ref, me_ref, tm_out_ref, g_ref):
    a = tmv_ref[0]
    c = tmv_ref[1]
    rows = lax.broadcasted_iota(jnp.int32, (_HID, _S), 0)
    cols = lax.broadcasted_iota(jnp.int32, (_HID, _S), 1)
    e_m = (cols == 2 * rows).astype(jnp.float32)
    o_m = (cols == 2 * rows + 1).astype(jnp.float32)
    z = jnp.dot(a, e_m, preferred_element_type=jnp.float32)
    z = z + jnp.dot(c, o_m, preferred_element_type=jnp.float32)
    tm_out_ref[0] = z
    row = me_ref[0]
    g_ref[0] = jnp.broadcast_to(row, (_P, _HID))


def _tm_and_g(target_mapping, mask_emb):
    return pl.pallas_call(
        _tm_body,
        grid=(_B,),
        in_specs=[
            pl.BlockSpec((2, _P, _HID), lambda b: (0, b, 0)),
            pl.BlockSpec((1, 1, _HID), lambda b: (0, 0, 0)),
        ],
        out_specs=[
            pl.BlockSpec((1, _P, _S), lambda b: (b, 0, 0)),
            pl.BlockSpec((1, _P, _HID), lambda b: (b, 0, 0)),
        ],
        out_shape=[
            jax.ShapeDtypeStruct((_B, _P, _S), jnp.float32),
            jax.ShapeDtypeStruct((_B, _P, _HID), jnp.float32),
        ],
    )(target_mapping.reshape(_B, 2 * _P, _HID), mask_emb)


def kernel(token_id_input, padding_mask, token_type_id, mems, perm_mask,
           target_mapping, word_embedding, mask_emb):
    ids_flat = token_id_input.reshape(_TOK)
    output_h = _sc_embedding_gather(word_embedding, ids_flat).reshape(_B, _S, _HID)

    pm_row = jnp.transpose(jnp.reshape(1 - padding_mask, (_S, _B))).reshape(_B, 1, _S)
    tt_row = token_type_id.reshape(_B, 1, _S)
    tt_col = token_type_id.reshape(_B, _S, 1)
    attn_f, attn_h, seg_mat_b, pos2 = _masks(perm_mask, pm_row, tt_row, tt_col)

    pos_emb = pos2.reshape(_B, _L, _HID)
    tm_out, output_g = _tm_and_g(target_mapping, mask_emb)

    return (output_h, output_g, pos_emb, tm_out, seg_mat_b, mems, attn_h, attn_f)

# --- scband reference (transcript-rebuilt; emitter-appended) ---
"""Pipeline reference for scband-content-and-query-embedding-90701119357389 (READ-ONLY COPY).

The authoritative reference and input builder live on the scoring server;
editing this copy changes nothing except your own understanding.
"""

import jax, jax.numpy as jnp
import numpy as np

VOCAB = 32000
HID = 1024
B = 2
S = 2048
MLEN = 512
P = 256


def setup_inputs(seed: int = 0):
    key = jax.random.key(seed)
    ks = jax.random.split(key, 8)
    token_id_input = jax.random.randint(ks[0], (B, S), 0, VOCAB, dtype=jnp.int32)
    padding_mask = jax.random.randint(ks[1], (B, S), 0, 2, dtype=jnp.int32)
    token_type_id = jax.random.randint(ks[2], (B, S), 0, 2, dtype=jnp.int32)
    mems = jax.random.normal(ks[3], (1, MLEN, B, HID), dtype=jnp.float32)
    perm_mask = jax.random.randint(ks[4], (B, S, S), 0, 2, dtype=jnp.int32)
    target_mapping = jax.random.uniform(ks[5], (B, P, S), dtype=jnp.float32)
    word_embedding = jax.random.normal(ks[6], (VOCAB, HID), dtype=jnp.float32) * 0.02
    mask_emb = jax.random.normal(ks[7], (1, 1, HID), dtype=jnp.float32) * 0.02
    return {"token_id_input": token_id_input, "padding_mask": padding_mask, "token_type_id": token_type_id, "mems": mems, "perm_mask": perm_mask, "target_mapping": target_mapping, "word_embedding": word_embedding, "mask_emb": mask_emb}


def reference(token_id_input, padding_mask, token_type_id, mems, perm_mask, target_mapping, word_embedding, mask_emb):
    bsz, qlen = token_id_input.shape
    mlen = mems.shape[1]
    klen = mlen + qlen
    hid = word_embedding.shape[1]
    # padding mask: invert then RESHAPE (not transpose), matching the TF code
    pm = 1 - padding_mask
    pm = jnp.reshape(pm, (qlen, bsz))
    perm = jnp.transpose(perm_mask, (1, 2, 0))  # [qlen, qlen, bsz]
    tm = jnp.transpose(target_mapping, (1, 2, 0))  # [P, qlen, bsz]
    data_mask = pm[None] + perm  # [qlen, qlen, bsz]
    if mlen > 0:
        mems_mask = jnp.zeros((data_mask.shape[0], mlen, bsz), dtype=jnp.int32)
        data_mask = jnp.concatenate([mems_mask, data_mask], axis=1)  # [qlen, klen, bsz]
    attn_mask = data_mask[:, :, :, None]
    attn_mask = (attn_mask > 0).astype(jnp.int32)
    eye = -jnp.eye(qlen, dtype=jnp.int32)
    if mlen > 0:
        eye = jnp.concatenate([jnp.zeros((qlen, mlen), dtype=jnp.int32), eye], axis=-1)
    attn_mask_h = ((attn_mask + eye[:, :, None, None]) > 0).astype(jnp.int32)
    # embedding lookup
    word_emb = jnp.take(word_embedding, token_id_input, axis=0)  # [B, S, HID]
    output_h = word_emb  # dropout is identity at inference
    word_emb_q = jnp.tile(mask_emb, (tm.shape[0], bsz, 1))  # [P, B, HID]
    output_g = word_emb_q
    tt = jnp.transpose(token_type_id, (1, 0))  # [qlen, bsz]
    if mlen > 0:
        mem_pad = jnp.zeros((mlen, bsz), dtype=tt.dtype)
        cat_ids = jnp.concatenate([mem_pad, tt], axis=0)
    else:
        cat_ids = tt
    seg_mat = (tt[:, None] != cat_ids[None, :]).astype(tt.dtype)  # [qlen, klen, bsz]
    # relative positional encoding
    freq_seq = jnp.arange(0, hid, 2.0)
    inv_freq = 1.0 / (10000.0 ** (freq_seq / hid))
    fwd_pos_seq = jnp.arange(klen, -qlen, -1.0)  # length klen+qlen
    sinusoid_inp = fwd_pos_seq[:, None] * inv_freq[None, :]
    pos_emb = jnp.concatenate([jnp.sin(sinusoid_inp), jnp.cos(sinusoid_inp)], axis=-1)[:, None, :]
    pos_emb = jnp.tile(pos_emb, (1, bsz, 1))  # [L, B, HID]
    # final layout ops (note: TF uses reshape, not transpose, in several places)
    output_g = jnp.reshape(output_g, (output_g.shape[1], output_g.shape[0], output_g.shape[2]))
    attn_mask_h_f = 1.0 - jnp.transpose(jnp.squeeze(attn_mask_h, -1), (2, 0, 1)).astype(jnp.float32)
    attn_mask_f = 1.0 - jnp.transpose(jnp.squeeze(attn_mask, -1), (2, 0, 1)).astype(jnp.float32)
    pos_emb = jnp.reshape(pos_emb, (pos_emb.shape[1], pos_emb.shape[0], pos_emb.shape[2]))
    seg_mat_b = jnp.transpose(seg_mat, (2, 0, 1)).astype(bool)
    tm_out = jnp.reshape(tm, (tm.shape[2], tm.shape[0], tm.shape[1])).astype(jnp.float32)
    return (output_h, output_g, pos_emb, tm_out, seg_mat_b, mems, attn_mask_h_f, attn_mask_f)

if __name__ == "__main__":
    import jax
    _d = setup_inputs()
    print(jax.jit(kernel)(*tuple(_d.values())))

</pallas_src>

<mosaic_0001>
#map = affine_map<(d0, d1) -> (0, 0)>
#map1 = affine_map<(d0, d1) -> (0)>
module attributes {stable_mosaic.version = 14 : i64} {
  func.func @gather_kernel(%arg0: i32, %arg1: i32, %arg2: memref<32000x1024xf32, #tpu.memory_space<hbm>>, %arg3: memref<4096xi32, #tpu.memory_space<hbm>>, %arg4: memref<4096x1024xf32, #tpu.memory_space<hbm>>, %arg5: memref<128xi32, #tpu.memory_space<vmem>>, %arg6: memref<64x1024xf32, #tpu.memory_space<vmem>>, %arg7: memref<!tpu.dma_semaphore, #tpu.memory_space<semaphore_mem>>) attributes {dimension_semantics = [#tpu.dimension_semantics<core_parallel>, #tpu.dimension_semantics<subcore_parallel>], iteration_bounds = array<i64: 2, 16>, scalar_prefetch = 0 : i64, scratch_operands = 3 : i64, tpu.core_type = #tpu.core_type<sc_vector_subcore>, window_params = [{transform_indices = #map}, {transform_indices = #map1}, {transform_indices = #map}]} {
    %mul3A = arith.constant 2 : i32
    %mul3A_0 = arith.muli %arg1, %mul3A : i32
    %add3A = arith.addi %mul3A_0, %arg0 : i32
    %mul3A_1 = arith.constant 128 : i32
    %mul3A_2 = arith.muli %add3A, %mul3A_1 : i32
    "tpu.region"() ({
      %run_scoped3A = tpu.sem_alloc : memref<!tpu.dma_semaphore, #tpu.memory_space<semaphore_mem>>
      %dma_start3A_25 = tpu.memref_slice %arg3[%mul3A_2] : memref<4096xi32, #tpu.memory_space<hbm>> -> memref<128xi32, #tpu.memory_space<hbm>>
      %dma_start3A_26 = tpu.memref_slice %arg3[%mul3A_2] : memref<4096xi32, #tpu.memory_space<hbm>> -> memref<128xi32, #tpu.memory_space<hbm>>
      tpu.enqueue_dma source(%dma_start3A_26 : memref<128xi32, #tpu.memory_space<hbm>>) target(%arg5 : memref<128xi32, #tpu.memory_space<vmem>>) target_semaphore(%run_scoped3A : memref<!tpu.dma_semaphore, #tpu.memory_space<semaphore_mem>>)
      %dma_wait3A_27 = tpu.memref_slice %arg3[%mul3A_2] : memref<4096xi32, #tpu.memory_space<hbm>> -> memref<128xi32, #tpu.memory_space<hbm>>
      %dma_wait3A_28 = tpu.memref_slice %arg3[%mul3A_2] : memref<4096xi32, #tpu.memory_space<hbm>> -> memref<128xi32, #tpu.memory_space<hbm>>
      tpu.wait_dma2 semaphore(%run_scoped3A : memref<!tpu.dma_semaphore, #tpu.memory_space<semaphore_mem>>) src(%dma_wait3A_28 : memref<128xi32, #tpu.memory_space<hbm>>) dst(%arg5 : memref<128xi32, #tpu.memory_space<vmem>>)
      tpu.yield
    }) : () -> ()
    %dma_start3A = arith.constant 0 : i32
    %dma_start3A_3 = tpu.memref_slice %arg5[%dma_start3A] : memref<128xi32, #tpu.memory_space<vmem>> -> memref<64xi32, #tpu.memory_space<vmem>>
    %dma_start3A_4 = arith.constant 0 : i32
    %dma_start3A_5 = arith.constant 0 : i32
    %dma_start3A_6 = tpu.memref_slice %arg2[%dma_start3A_4, %dma_start3A_5] : memref<32000x1024xf32, #tpu.memory_space<hbm>> -> memref<32000x1024xf32, #tpu.memory_space<hbm>>
    tpu.enqueue_indirect_dma source(%dma_start3A_6 : memref<32000x1024xf32, #tpu.memory_space<hbm>>) target(%arg6 : memref<64x1024xf32, #tpu.memory_space<vmem>>) offsets(%dma_start3A_3 : memref<64xi32, #tpu.memory_space<vmem>>) semaphore(%arg7 : memref<!tpu.dma_semaphore, #tpu.memory_space<semaphore_mem>>)
    %dma_wait3A = arith.constant 0 : i32
    %dma_wait3A_7 = tpu.memref_slice %arg5[%dma_wait3A] : memref<128xi32, #tpu.memory_space<vmem>> -> memref<64xi32, #tpu.memory_space<vmem>>
    %dma_wait3A_8 = arith.constant 0 : i32
    %dma_wait3A_9 = arith.constant 0 : i32
    %dma_wait3A_10 = tpu.memref_slice %arg2[%dma_wait3A_8, %dma_wait3A_9] : memref<32000x1024xf32, #tpu.memory_space<hbm>> -> memref<32000x1024xf32, #tpu.memory_space<hbm>>
    tpu.wait_indirect_dma semaphore(%arg7 : memref<!tpu.dma_semaphore, #tpu.memory_space<semaphore_mem>>) src(%dma_wait3A_10 : memref<32000x1024xf32, #tpu.memory_space<hbm>>) dst(%arg6 : memref<64x1024xf32, #tpu.memory_space<vmem>>)
    %add3A_11 = arith.constant 0 : i32
    %add3A_12 = arith.addi %mul3A_2, %add3A_11 : i32
    "tpu.region"() ({
      %run_scoped3A = tpu.sem_alloc : memref<!tpu.dma_semaphore, #tpu.memory_space<semaphore_mem>>
      %dma_start3A_25 = arith.constant 0 : i32
      %dma_start3A_26 = tpu.memref_slice %arg4[%add3A_12, %dma_start3A_25] : memref<4096x1024xf32, #tpu.memory_space<hbm>> -> memref<64x1024xf32, #tpu.memory_space<hbm>>
      %dma_start3A_27 = arith.constant 0 : i32
      %dma_start3A_28 = tpu.memref_slice %arg4[%add3A_12, %dma_start3A_27] : memref<4096x1024xf32, #tpu.memory_space<hbm>> -> memref<64x1024xf32, #tpu.memory_space<hbm>>
      tpu.enqueue_dma source(%arg6 : memref<64x1024xf32, #tpu.memory_space<vmem>>) target(%dma_start3A_28 : memref<64x1024xf32, #tpu.memory_space<hbm>>) target_semaphore(%run_scoped3A : memref<!tpu.dma_semaphore, #tpu.memory_space<semaphore_mem>>)
      %dma_wait3A_29 = arith.constant 0 : i32
      %dma_wait3A_30 = tpu.memref_slice %arg4[%add3A_12, %dma_wait3A_29] : memref<4096x1024xf32, #tpu.memory_space<hbm>> -> memref<64x1024xf32, #tpu.memory_space<hbm>>
      %dma_wait3A_31 = arith.constant 0 : i32
      %dma_wait3A_32 = tpu.memref_slice %arg4[%add3A_12, %dma_wait3A_31] : memref<4096x1024xf32, #tpu.memory_space<hbm>> -> memref<64x1024xf32, #tpu.memory_space<hbm>>
      tpu.wait_dma2 semaphore(%run_scoped3A : memref<!tpu.dma_semaphore, #tpu.memory_space<semaphore_mem>>) src(%arg6 : memref<64x1024xf32, #tpu.memory_space<vmem>>) dst(%dma_wait3A_32 : memref<64x1024xf32, #tpu.memory_space<hbm>>)
      tpu.yield
    }) : () -> ()
    %dma_start3A_13 = arith.constant 64 : i32
    %dma_start3A_14 = tpu.memref_slice %arg5[%dma_start3A_13] : memref<128xi32, #tpu.memory_space<vmem>> -> memref<64xi32, #tpu.memory_space<vmem>>
    %dma_start3A_15 = arith.constant 0 : i32
    %dma_start3A_16 = arith.constant 0 : i32
    %dma_start3A_17 = tpu.memref_slice %arg2[%dma_start3A_15, %dma_start3A_16] : memref<32000x1024xf32, #tpu.memory_space<hbm>> -> memref<32000x1024xf32, #tpu.memory_space<hbm>>
    tpu.enqueue_indirect_dma source(%dma_start3A_17 : memref<32000x1024xf32, #tpu.memory_space<hbm>>) target(%arg6 : memref<64x1024xf32, #tpu.memory_space<vmem>>) offsets(%dma_start3A_14 : memref<64xi32, #tpu.memory_space<vmem>>) semaphore(%arg7 : memref<!tpu.dma_semaphore, #tpu.memory_space<semaphore_mem>>)
    %dma_wait3A_18 = arith.constant 64 : i32
    %dma_wait3A_19 = tpu.memref_slice %arg5[%dma_wait3A_18] : memref<128xi32, #tpu.memory_space<vmem>> -> memref<64xi32, #tpu.memory_space<vmem>>
    %dma_wait3A_20 = arith.constant 0 : i32
    %dma_wait3A_21 = arith.constant 0 : i32
    %dma_wait3A_22 = tpu.memref_slice %arg2[%dma_wait3A_20, %dma_wait3A_21] : memref<32000x1024xf32, #tpu.memory_space<hbm>> -> memref<32000x1024xf32, #tpu.memory_space<hbm>>
    tpu.wait_indirect_dma semaphore(%arg7 : memref<!tpu.dma_semaphore, #tpu.memory_space<semaphore_mem>>) src(%dma_wait3A_22 : memref<32000x1024xf32, #tpu.memory_space<hbm>>) dst(%arg6 : memref<64x1024xf32, #tpu.memory_space<vmem>>)
    %add3A_23 = arith.constant 64 : i32
    %add3A_24 = arith.addi %mul3A_2, %add3A_23 : i32
    "tpu.region"() ({
      %run_scoped3A = tpu.sem_alloc : memref<!tpu.dma_semaphore, #tpu.memory_space<semaphore_mem>>
      %dma_start3A_25 = arith.constant 0 : i32
      %dma_start3A_26 = tpu.memref_slice %arg4[%add3A_24, %dma_start3A_25] : memref<4096x1024xf32, #tpu.memory_space<hbm>> -> memref<64x1024xf32, #tpu.memory_space<hbm>>
      %dma_start3A_27 = arith.constant 0 : i32
      %dma_start3A_28 = tpu.memref_slice %arg4[%add3A_24, %dma_start3A_27] : memref<4096x1024xf32, #tpu.memory_space<hbm>> -> memref<64x1024xf32, #tpu.memory_space<hbm>>
      tpu.enqueue_dma source(%arg6 : memref<64x1024xf32, #tpu.memory_space<vmem>>) target(%dma_start3A_28 : memref<64x1024xf32, #tpu.memory_space<hbm>>) target_semaphore(%run_scoped3A : memref<!tpu.dma_semaphore, #tpu.memory_space<semaphore_mem>>)
      %dma_wait3A_29 = arith.constant 0 : i32
      %dma_wait3A_30 = tpu.memref_slice %arg4[%add3A_24, %dma_wait3A_29] : memref<4096x1024xf32, #tpu.memory_space<hbm>> -> memref<64x1024xf32, #tpu.memory_space<hbm>>
      %dma_wait3A_31 = arith.constant 0 : i32
      %dma_wait3A_32 = tpu.memref_slice %arg4[%add3A_24, %dma_wait3A_31] : memref<4096x1024xf32, #tpu.memory_space<hbm>> -> memref<64x1024xf32, #tpu.memory_space<hbm>>
      tpu.wait_dma2 semaphore(%run_scoped3A : memref<!tpu.dma_semaphore, #tpu.memory_space<semaphore_mem>>) src(%arg6 : memref<64x1024xf32, #tpu.memory_space<vmem>>) dst(%dma_wait3A_32 : memref<64x1024xf32, #tpu.memory_space<hbm>>)
      tpu.yield
    }) : () -> ()
    return
  }
}

module attributes {stable_mosaic.version = 14 : i64} {
  func.func @_mask_body(%arg0: i32, %arg1: i32, %arg2: memref<1x256x2048xi32, #tpu.memory_space<vmem>>, %arg3: memref<1x1x2048xi32, #tpu.memory_space<vmem>>, %arg4: memref<1x1x2048xi32, #tpu.memory_space<vmem>>, %arg5: memref<1x256x1xi32, #tpu.memory_space<vmem>>, %arg6: memref<1x256x2560xf32, #tpu.memory_space<vmem>>, %arg7: memref<1x256x2560xf32, #tpu.memory_space<vmem>>, %arg8: memref<1x256x2560xi32, #tpu.memory_space<vmem>>, %arg9: memref<288x2048xf32, #tpu.memory_space<vmem>>) attributes {dimension_semantics = [#tpu.dimension_semantics<arbitrary>, #tpu.dimension_semantics<arbitrary>], iteration_bounds = array<i64: 2, 8>, scalar_prefetch = 0 : i64, scratch_operands = 0 : i64, tpu.core_type = #tpu.core_type<tc>, window_params = [{transform_indices = @transform_0, window_bounds = array<i64: 1, 256, 2048>}, {transform_indices = @transform_1, window_bounds = array<i64: 1, 1, 2048>}, {transform_indices = @transform_2, window_bounds = array<i64: 1, 1, 2048>}, {transform_indices = @transform_3, window_bounds = array<i64: 1, 256, 1>}, {transform_indices = @transform_4, window_bounds = array<i64: 1, 256, 2560>}, {transform_indices = @transform_5, window_bounds = array<i64: 1, 256, 2560>}, {transform_indices = @transform_6, window_bounds = array<i64: 1, 256, 2560>}, {transform_indices = @transform_7, window_bounds = array<i64: 288, 2048>}]} {
    %get3A = arith.constant 0 : index
    %get3A_0 = arith.constant 0 : index
    %get3A_1 = arith.constant 0 : index
    %get3A_2 = vector.load %arg2[%get3A, %get3A_0, %get3A_1] : memref<1x256x2048xi32, #tpu.memory_space<vmem>>, vector<1x256x2048xi32>
    %get3A_3 = vector.shape_cast %get3A_2 : vector<1x256x2048xi32> to vector<256x2048xi32>
    %get3A_4 = arith.constant 0 : index
    %get3A_5 = arith.constant 0 : index
    %get3A_6 = arith.constant 0 : index
    %get3A_7 = vector.load %arg3[%get3A_4, %get3A_5, %get3A_6] : memref<1x1x2048xi32, #tpu.memory_space<vmem>>, vector<1x1x2048xi32>
    %get3A_8 = vector.shape_cast %get3A_7 : vector<1x1x2048xi32> to vector<1x2048xi32>
    %get3A_9 = arith.constant 0 : index
    %get3A_10 = arith.constant 0 : index
    %get3A_11 = arith.constant 0 : index
    %get3A_12 = vector.load %arg4[%get3A_9, %get3A_10, %get3A_11] : memref<1x1x2048xi32, #tpu.memory_space<vmem>>, vector<1x1x2048xi32>
    %get3A_13 = vector.shape_cast %get3A_12 : vector<1x1x2048xi32> to vector<1x2048xi32>
    %get3A_14 = arith.constant 0 : index
    %get3A_15 = arith.constant 0 : index
    %get3A_16 = arith.constant 0 : index
    %get3A_17 = vector.load %arg5[%get3A_14, %get3A_15, %get3A_16] : memref<1x256x1xi32, #tpu.memory_space<vmem>>, vector<1x256x1xi32>
    %get3A_18 = vector.shape_cast %get3A_17 : vector<1x256x1xi32> to vector<256x1xi32>
    %broadcast_in_dim3A = arith.constant 1.000000e+00 : f32
    %broadcast_in_dim3A_19 = vector.broadcast %broadcast_in_dim3A : f32 to vector<256x512xf32>
    %add3A = vector.broadcast %get3A_8 : vector<1x2048xi32> to vector<256x2048xi32>
    %add3A_20 = arith.addi %get3A_3, %add3A : vector<256x2048xi32>
    %gt3A = arith.constant 0 : i32
    %gt3A_21 = vector.broadcast %gt3A : i32 to vector<256x2048xi32>
    %gt3A_22 = arith.cmpi sgt, %add3A_20, %gt3A_21 : vector<256x2048xi32>
    %jit3A = arith.constant 0.000000e+00 : f32
    %jit3A_23 = arith.constant 1.000000e+00 : f32
    %broadcast_in_dim3A_24 = vector.broadcast %jit3A : f32 to vector<256x2048xf32>
    %broadcast_in_dim3A_25 = vector.broadcast %jit3A_23 : f32 to vector<256x2048xf32>
    %select_n3A = arith.select %gt3A_22, %broadcast_in_dim3A_24, %broadcast_in_dim3A_25 : vector<256x2048xi1>, vector<256x2048xf32>
    %swap3A = arith.constant 0 : index
    %swap3A_26 = arith.constant 0 : index
    %swap3A_27 = arith.constant 0 : index
    %swap3A_28 = vector.load %arg6[%swap3A, %swap3A_26, %swap3A_27] : memref<1x256x2560xf32, #tpu.memory_space<vmem>>, vector<1x256x512xf32>
    %swap3A_29 = vector.shape_cast %swap3A_28 : vector<1x256x512xf32> to vector<256x512xf32>
    %swap3A_30 = vector.shape_cast %broadcast_in_dim3A_19 : vector<256x512xf32> to vector<1x256x512xf32>
    tpu.vector_store %arg6[%swap3A, %swap3A_26, %swap3A_27], %swap3A_30 {strides = array<i32>} : memref<1x256x2560xf32, #tpu.memory_space<vmem>>, vector<1x256x512xf32>,
    %swap3A_31 = arith.constant 0 : index
    %swap3A_32 = arith.constant 0 : index
    %swap3A_33 = arith.constant 512 : index
    %swap3A_34 = vector.load %arg6[%swap3A_31, %swap3A_32, %swap3A_33] : memref<1x256x2560xf32, #tpu.memory_space<vmem>>, vector<1x256x2048xf32>
    %swap3A_35 = vector.shape_cast %swap3A_34 : vector<1x256x2048xf32> to vector<256x2048xf32>
    %swap3A_36 = vector.shape_cast %select_n3A : vector<256x2048xf32> to vector<1x256x2048xf32>
    tpu.vector_store %arg6[%swap3A_31, %swap3A_32, %swap3A_33], %swap3A_36 {strides = array<i32>} : memref<1x256x2560xf32, #tpu.memory_space<vmem>>, vector<1x256x2048xf32>,
    %mul3A = arith.constant 256 : i32
    %mul3A_37 = arith.muli %arg1, %mul3A : i32
    %iota3A = tpu.iota {dimensions = array<i32: 0>} : vector<256x2048xi32>
    %add3A_38 = vector.broadcast %mul3A_37 : i32 to vector<256x2048xi32>
    %add3A_39 = arith.addi %add3A_38, %iota3A : vector<256x2048xi32>
    %iota3A_40 = tpu.iota {dimensions = array<i32: 1>} : vector<256x2048xi32>
    %eq3A = arith.cmpi eq, %add3A_39, %iota3A_40 : vector<256x2048xi32>
    %jit3A_41 = arith.constant 1.000000e+00 : f32
    %broadcast_in_dim3A_42 = vector.broadcast %jit3A_41 : f32 to vector<256x2048xf32>
    %select_n3A_43 = arith.select %eq3A, %broadcast_in_dim3A_42, %select_n3A : vector<256x2048xi1>, vector<256x2048xf32>
    %swap3A_44 = arith.constant 0 : index
    %swap3A_45 = arith.constant 0 : index
    %swap3A_46 = arith.constant 0 : index
    %swap3A_47 = vector.load %arg7[%swap3A_44, %swap3A_45, %swap3A_46] : memref<1x256x2560xf32, #tpu.memory_space<vmem>>, vector<1x256x512xf32>
    %swap3A_48 = vector.shape_cast %swap3A_47 : vector<1x256x512xf32> to vector<256x512xf32>
    %swap3A_49 = vector.shape_cast %broadcast_in_dim3A_19 : vector<256x512xf32> to vector<1x256x512xf32>
    tpu.vector_store %arg7[%swap3A_44, %swap3A_45, %swap3A_46], %swap3A_49 {strides = array<i32>} : memref<1x256x2560xf32, #tpu.memory_space<vmem>>, vector<1x256x512xf32>,
    %swap3A_50 = arith.constant 0 : index
    %swap3A_51 = arith.constant 0 : index
    %swap3A_52 = arith.constant 512 : index
    %swap3A_53 = vector.load %arg7[%swap3A_50, %swap3A_51, %swap3A_52] : memref<1x256x2560xf32, #tpu.memory_space<vmem>>, vector<1x256x2048xf32>
    %swap3A_54 = vector.shape_cast %swap3A_53 : vector<1x256x2048xf32> to vector<256x2048xf32>
    %swap3A_55 = vector.shape_cast %select_n3A_43 : vector<256x2048xf32> to vector<1x256x2048xf32>
    tpu.vector_store %arg7[%swap3A_50, %swap3A_51, %swap3A_52], %swap3A_55 {strides = array<i32>} : memref<1x256x2560xf32, #tpu.memory_space<vmem>>, vector<1x256x2048xf32>,
    %ne3A = vector.broadcast %get3A_18 : vector<256x1xi32> to vector<256x2048xi32>
    %ne3A_56 = vector.broadcast %get3A_13 : vector<1x2048xi32> to vector<256x2048xi32>
    %ne3A_57 = arith.cmpi ne, %ne3A, %ne3A_56 : vector<256x2048xi32>
    %ne3A_58 = arith.constant 0 : i32
    %ne3A_59 = vector.broadcast %ne3A_58 : i32 to vector<256x1xi32>
    %ne3A_60 = arith.cmpi ne, %get3A_18, %ne3A_59 : vector<256x1xi32>
    %broadcast_in_dim3A_61 = vector.shape_cast %ne3A_60 : vector<256x1xi1> to vector<256x1xi1>
    %broadcast_in_dim3A_62 = vector.broadcast %broadcast_in_dim3A_61 : vector<256x1xi1> to vector<256x512xi1>
    %swap3A_63 = arith.constant 0 : index
    %swap3A_64 = arith.constant 0 : index
    %swap3A_65 = arith.constant 0 : index
    %swap3A_66 = vector.load %arg8[%swap3A_63, %swap3A_64, %swap3A_65] : memref<1x256x2560xi32, #tpu.memory_space<vmem>>, vector<1x256x512xi32>
    %swap3A_67 = arith.extui %broadcast_in_dim3A_62 : vector<256x512xi1> to vector<256x512xi32>
    %swap3A_68 = vector.shape_cast %swap3A_66 : vector<1x256x512xi32> to vector<256x512xi32>
    %swap3A_69 = vector.shape_cast %swap3A_67 : vector<256x512xi32> to vector<1x256x512xi32>
    %swap3A_70 = arith.constant dense<0> : vector<256x512xi32>
    %swap3A_71 = arith.cmpi ne, %swap3A_68, %swap3A_70 : vector<256x512xi32>
    tpu.vector_store %arg8[%swap3A_63, %swap3A_64, %swap3A_65], %swap3A_69 {strides = array<i32>} : memref<1x256x2560xi32, #tpu.memory_space<vmem>>, vector<1x256x512xi32>,
    %swap3A_72 = arith.constant 0 : index
    %swap3A_73 = arith.constant 0 : index
    %swap3A_74 = arith.constant 512 : index
    %swap3A_75 = vector.load %arg8[%swap3A_72, %swap3A_73, %swap3A_74] : memref<1x256x2560xi32, #tpu.memory_space<vmem>>, vector<1x256x2048xi32>
    %swap3A_76 = arith.extui %ne3A_57 : vector<256x2048xi1> to vector<256x2048xi32>
    %swap3A_77 = vector.shape_cast %swap3A_75 : vector<1x256x2048xi32> to vector<256x2048xi32>
    %swap3A_78 = vector.shape_cast %swap3A_76 : vector<256x2048xi32> to vector<1x256x2048xi32>
    %swap3A_79 = arith.constant dense<0> : vector<256x2048xi32>
    %swap3A_80 = arith.cmpi ne, %swap3A_77, %swap3A_79 : vector<256x2048xi32>
    tpu.vector_store %arg8[%swap3A_72, %swap3A_73, %swap3A_74], %swap3A_78 {strides = array<i32>} : memref<1x256x2560xi32, #tpu.memory_space<vmem>>, vector<1x256x2048xi32>,
    %mul3A_81 = arith.constant 8 : i32
    %mul3A_82 = arith.muli %arg0, %mul3A_81 : i32
    %add3A_83 = arith.addi %mul3A_82, %arg1 : i32
    %mul3A_84 = arith.constant 288 : i32
    %mul3A_85 = arith.muli %add3A_83, %mul3A_84 : i32
    %iota3A_86 = tpu.iota {dimensions = array<i32: 0>} : vector<288x512xi32>
    %add3A_87 = vector.broadcast %mul3A_85 : i32 to vector<288x512xi32>
    %add3A_88 = arith.addi %add3A_87, %iota3A_86 : vector<288x512xi32>
    %sub3A = arith.constant 2560 : i32
    %sub3A_89 = vector.broadcast %sub3A : i32 to vector<288x512xi32>
    %sub3A_90 = arith.subi %sub3A_89, %add3A_88 : vector<288x512xi32>
    %convert_element_type3A = arith.sitofp %sub3A_90 : vector<288x512xi32> to vector<288x512xf32>
    %iota3A_91 = tpu.iota {dimensions = array<i32: 1>} : vector<288x512xi32>
    %convert_element_type3A_92 = arith.sitofp %iota3A_91 : vector<288x512xi32> to vector<288x512xf32>
    %mul3A_93 = arith.constant -0.0179889463 : f32
    %mul3A_94 = vector.broadcast %mul3A_93 : f32 to vector<288x512xf32>
    %mul3A_95 = arith.mulf %convert_element_type3A_92, %mul3A_94 : vector<288x512xf32>
    %exp3A = math.exp %mul3A_95 : vector<288x512xf32>
    %mul3A_96 = arith.mulf %convert_element_type3A, %exp3A : vector<288x512xf32>
    %sin3A = math.sin %mul3A_96 : vector<288x512xf32>
    %cos3A = math.cos %mul3A_96 : vector<288x512xf32>
    %swap3A_97 = arith.constant 0 : index
    %swap3A_98 = arith.constant 0 : index
    %swap3A_99 = vector.load %arg9[%swap3A_97, %swap3A_98] : memref<288x2048xf32, #tpu.memory_space<vmem>>, vector<288x512xf32>
    tpu.vector_store %arg9[%swap3A_97, %swap3A_98], %sin3A {strides = array<i32>} : memref<288x2048xf32, #tpu.memory_space<vmem>>, vector<288x512xf32>,
    %swap3A_100 = arith.constant 0 : index
    %swap3A_101 = arith.constant 512 : index
    %swap3A_102 = vector.load %arg9[%swap3A_100, %swap3A_101] : memref<288x2048xf32, #tpu.memory_space<vmem>>, vector<288x512xf32>
    tpu.vector_store %arg9[%swap3A_100, %swap3A_101], %cos3A {strides = array<i32>} : memref<288x2048xf32, #tpu.memory_space<vmem>>, vector<288x512xf32>,
    %swap3A_103 = arith.constant 0 : index
    %swap3A_104 = arith.constant 1024 : index
    %swap3A_105 = vector.load %arg9[%swap3A_103, %swap3A_104] : memref<288x2048xf32, #tpu.memory_space<vmem>>, vector<288x512xf32>
    tpu.vector_store %arg9[%swap3A_103, %swap3A_104], %sin3A {strides = array<i32>} : memref<288x2048xf32, #tpu.memory_space<vmem>>, vector<288x512xf32>,
    %swap3A_106 = arith.constant 0 : index
    %swap3A_107 = arith.constant 1536 : index
    %swap3A_108 = vector.load %arg9[%swap3A_106, %swap3A_107] : memref<288x2048xf32, #tpu.memory_space<vmem>>, vector<288x512xf32>
    tpu.vector_store %arg9[%swap3A_106, %swap3A_107], %cos3A {strides = array<i32>} : memref<288x2048xf32, #tpu.memory_space<vmem>>, vector<288x512xf32>,
    return
  }
  func.func @transform_0(%arg0: i32, %arg1: i32) -> (i32, i32, i32) {
    %c0_i32 = arith.constant 0 : i32
    %c0_i32_0 = arith.constant 0 : i32
    return %arg0, %arg1, %c0_i32 : i32, i32, i32
  }
  func.func @transform_1(%arg0: i32, %arg1: i32) -> (i32, i32, i32) {
    %c0_i32 = arith.constant 0 : i32
    %c0_i32_0 = arith.constant 0 : i32
    %c0_i32_1 = arith.constant 0 : i32
    return %arg0, %c0_i32, %c0_i32_0 : i32, i32, i32
  }
  func.func @transform_2(%arg0: i32, %arg1: i32) -> (i32, i32, i32) {
    %c0_i32 = arith.constant 0 : i32
    %c0_i32_0 = arith.constant 0 : i32
    %c0_i32_1 = arith.constant 0 : i32
    return %arg0, %c0_i32, %c0_i32_0 : i32, i32, i32
  }
  func.func @transform_3(%arg0: i32, %arg1: i32) -> (i32, i32, i32) {
    %c0_i32 = arith.constant 0 : i32
    %c0_i32_0 = arith.constant 0 : i32
    return %arg0, %arg1, %c0_i32 : i32, i32, i32
  }
  func.func @transform_4(%arg0: i32, %arg1: i32) -> (i32, i32, i32) {
    %c0_i32 = arith.constant 0 : i32
    %c0_i32_0 = arith.constant 0 : i32
    return %arg0, %arg1, %c0_i32 : i32, i32, i32
  }
  func.func @transform_5(%arg0: i32, %arg1: i32) -> (i32, i32, i32) {
    %c0_i32 = arith.constant 0 : i32
    %c0_i32_0 = arith.constant 0 : i32
    return %arg0, %arg1, %c0_i32 : i32, i32, i32
  }
  func.func @transform_6(%arg0: i32, %arg1: i32) -> (i32, i32, i32) {
    %c0_i32 = arith.constant 0 : i32
    %c0_i32_0 = arith.constant 0 : i32
    return %arg0, %arg1, %c0_i32 : i32, i32, i32
  }
  func.func @transform_7(%arg0: i32, %arg1: i32) -> (i32, i32) {
    %mul3A = arith.constant 8 : i32
    %mul3A_0 = arith.muli %arg0, %mul3A : i32
    %add3A = arith.addi %mul3A_0, %arg1 : i32
    %c0_i32 = arith.constant 0 : i32
    %c0_i32_1 = arith.constant 0 : i32
    return %add3A, %c0_i32 : i32, i32
  }
}

module attributes {stable_mosaic.version = 14 : i64} {
  func.func @_tm_body(%arg0: i32, %arg1: memref<2x256x1024xf32, #tpu.memory_space<vmem>>, %arg2: memref<1x1x1024xf32, #tpu.memory_space<vmem>>, %arg3: memref<1x256x2048xf32, #tpu.memory_space<vmem>>, %arg4: memref<1x256x1024xf32, #tpu.memory_space<vmem>>) attributes {dimension_semantics = [#tpu.dimension_semantics<arbitrary>], iteration_bounds = array<i64: 2>, scalar_prefetch = 0 : i64, scratch_operands = 0 : i64, tpu.core_type = #tpu.core_type<tc>, window_params = [{transform_indices = @transform_0, window_bounds = array<i64: 2, 256, 1024>}, {pipeline_mode = #tpu.pipeline_mode<synchronous>, transform_indices = @transform_1, window_bounds = array<i64: 1, 1, 1024>}, {transform_indices = @transform_2, window_bounds = array<i64: 1, 256, 2048>}, {transform_indices = @transform_3, window_bounds = array<i64: 1, 256, 1024>}]} {
    %get3A = arith.constant 0 : index
    %get3A_0 = arith.constant 0 : index
    %get3A_1 = arith.constant 0 : index
    %get3A_2 = vector.load %arg1[%get3A, %get3A_0, %get3A_1] : memref<2x256x1024xf32, #tpu.memory_space<vmem>>, vector<1x256x1024xf32>
    %get3A_3 = vector.shape_cast %get3A_2 : vector<1x256x1024xf32> to vector<256x1024xf32>
    %get3A_4 = arith.constant 1 : index
    %get3A_5 = arith.constant 0 : index
    %get3A_6 = arith.constant 0 : index
    %get3A_7 = vector.load %arg1[%get3A_4, %get3A_5, %get3A_6] : memref<2x256x1024xf32, #tpu.memory_space<vmem>>, vector<1x256x1024xf32>
    %get3A_8 = vector.shape_cast %get3A_7 : vector<1x256x1024xf32> to vector<256x1024xf32>
    %iota3A = tpu.iota {dimensions = array<i32: 0>} : vector<1024x2048xi32>
    %iota3A_9 = tpu.iota {dimensions = array<i32: 1>} : vector<1024x2048xi32>
    %mul3A = arith.constant 2 : i32
    %mul3A_10 = vector.broadcast %mul3A : i32 to vector<1024x2048xi32>
    %mul3A_11 = arith.muli %mul3A_10, %iota3A : vector<1024x2048xi32>
    %eq3A = arith.cmpi eq, %iota3A_9, %mul3A_11 : vector<1024x2048xi32>
    %convert_element_type3A = arith.extui %eq3A : vector<1024x2048xi1> to vector<1024x2048xi32>
    %convert_element_type3A_12 = arith.sitofp %convert_element_type3A : vector<1024x2048xi32> to vector<1024x2048xf32>
    %mul3A_13 = arith.constant 2 : i32
    %mul3A_14 = vector.broadcast %mul3A_13 : i32 to vector<1024x2048xi32>
    %mul3A_15 = arith.muli %mul3A_14, %iota3A : vector<1024x2048xi32>
    %add3A = arith.constant 1 : i32
    %add3A_16 = vector.broadcast %add3A : i32 to vector<1024x2048xi32>
    %add3A_17 = arith.addi %mul3A_15, %add3A_16 : vector<1024x2048xi32>
    %eq3A_18 = arith.cmpi eq, %iota3A_9, %add3A_17 : vector<1024x2048xi32>
    %convert_element_type3A_19 = arith.extui %eq3A_18 : vector<1024x2048xi1> to vector<1024x2048xi32>
    %convert_element_type3A_20 = arith.sitofp %convert_element_type3A_19 : vector<1024x2048xi32> to vector<1024x2048xf32>
    %dot_general3A = arith.constant dense<0.000000e+00> : vector<256x2048xf32>
    %dot_general3A_21 = tpu.matmul %get3A_3, %convert_element_type3A_12, %dot_general3A {dimension_numbers = #tpu.dot_dimension_numbers<[1], [0], [0], [1], [0, 0, 1, 1], [], []>, transpose_lhs_hint = false} : vector<256x1024xf32>, vector<1024x2048xf32>, vector<256x2048xf32> -> vector<256x2048xf32>
    %dot_general3A_22 = arith.constant dense<0.000000e+00> : vector<256x2048xf32>
    %dot_general3A_23 = tpu.matmul %get3A_8, %convert_element_type3A_20, %dot_general3A_22 {dimension_numbers = #tpu.dot_dimension_numbers<[1], [0], [0], [1], [0, 0, 1, 1], [], []>, transpose_lhs_hint = false} : vector<256x1024xf32>, vector<1024x2048xf32>, vector<256x2048xf32> -> vector<256x2048xf32>
    %add3A_24 = arith.addf %dot_general3A_21, %dot_general3A_23 : vector<256x2048xf32>
    %swap3A = arith.constant 0 : index
    %swap3A_25 = arith.constant 0 : index
    %swap3A_26 = arith.constant 0 : index
    %swap3A_27 = vector.load %arg3[%swap3A, %swap3A_25, %swap3A_26] : memref<1x256x2048xf32, #tpu.memory_space<vmem>>, vector<1x256x2048xf32>
    %swap3A_28 = vector.shape_cast %swap3A_27 : vector<1x256x2048xf32> to vector<256x2048xf32>
    %swap3A_29 = vector.shape_cast %add3A_24 : vector<256x2048xf32> to vector<1x256x2048xf32>
    tpu.vector_store %arg3[%swap3A, %swap3A_25, %swap3A_26], %swap3A_29 {strides = array<i32>} : memref<1x256x2048xf32, #tpu.memory_space<vmem>>, vector<1x256x2048xf32>,
    %get3A_30 = arith.constant 0 : index
    %get3A_31 = arith.constant 0 : index
    %get3A_32 = arith.constant 0 : index
    %get3A_33 = vector.load %arg2[%get3A_30, %get3A_31, %get3A_32] : memref<1x1x1024xf32, #tpu.memory_space<vmem>>, vector<1x1x1024xf32>
    %get3A_34 = vector.shape_cast %get3A_33 : vector<1x1x1024xf32> to vector<1x1024xf32>
    %broadcast_in_dim3A = vector.shape_cast %get3A_34 : vector<1x1024xf32> to vector<1x1024xf32>
    %broadcast_in_dim3A_35 = vector.broadcast %broadcast_in_dim3A : vector<1x1024xf32> to vector<256x1024xf32>
    %swap3A_36 = arith.constant 0 : index
    %swap3A_37 = arith.constant 0 : index
    %swap3A_38 = arith.constant 0 : index
    %swap3A_39 = vector.load %arg4[%swap3A_36, %swap3A_37, %swap3A_38] : memref<1x256x1024xf32, #tpu.memory_space<vmem>>, vector<1x256x1024xf32>
    %swap3A_40 = vector.shape_cast %swap3A_39 : vector<1x256x1024xf32> to vector<256x1024xf32>
    %swap3A_41 = vector.shape_cast %broadcast_in_dim3A_35 : vector<256x1024xf32> to vector<1x256x1024xf32>
    tpu.vector_store %arg4[%swap3A_36, %swap3A_37, %swap3A_38], %swap3A_41 {strides = array<i32>} : memref<1x256x1024xf32, #tpu.memory_space<vmem>>, vector<1x256x1024xf32>,
    return
  }
  func.func @transform_0(%arg0: i32) -> (i32, i32, i32) {
    %c0_i32 = arith.constant 0 : i32
    %c0_i32_0 = arith.constant 0 : i32
    %c0_i32_1 = arith.constant 0 : i32
    return %c0_i32, %arg0, %c0_i32_0 : i32, i32, i32
  }
  func.func @transform_1(%arg0: i32) -> (i32, i32, i32) {
    %c0_i32 = arith.constant 0 : i32
    %c0_i32_0 = arith.constant 0 : i32
    %c0_i32_1 = arith.constant 0 : i32
    %c0_i32_2 = arith.constant 0 : i32
    return %c0_i32, %c0_i32_0, %c0_i32_1 : i32, i32, i32
  }
  func.func @transform_2(%arg0: i32) -> (i32, i32, i32) {
    %c0_i32 = arith.constant 0 : i32
    %c0_i32_0 = arith.constant 0 : i32
    %c0_i32_1 = arith.constant 0 : i32
    return %arg0, %c0_i32, %c0_i32_0 : i32, i32, i32
  }
  func.func @transform_3(%arg0: i32) -> (i32, i32, i32) {
    %c0_i32 = arith.constant 0 : i32
    %c0_i32_0 = arith.constant 0 : i32
    %c0_i32_1 = arith.constant 0 : i32
    return %arg0, %c0_i32, %c0_i32_0 : i32, i32, i32
  }
}

</mosaic_0001>

<sc_bundles>
// kernel: kernel.5.cloned.1.call-start
scs
__scs_entry_jumppad:
0x0: {  	(pc) =	sbr.rel $0x88, $3  }
0x1: {  	(tag) =	ssettag $0x0;
	lr =	simm.s32 $0x1  }
0x2: {  	[smem:$0x3F99] =	sst lr;
	_ =	strace $0xD0000000  }
0x3: {  	_ = 	snop  }
0x4: {  	_ = 	snop  }
0x5: {  	_ = 	snop  }
0x6: {  	_ = 	snop  }
0x7: {  	_ = 	snop  }
__scs_overlays_trampoline_lowered:
0x8: {  	[smem:$0x3FA8] =	sst s0  }
0x9: {  	[smem:$0x3FA9] =	sst s1  }
0xa: {  	[smem:$0x3FAA] =	sst s2  }
0xb: {  	[smem:$0x3FAB] =	sst s3  }
0xc: {  	[smem:$0x3FAC] =	sst s4  }
0xd: {  	[smem:$0x3FAD] =	sst s5  }
0xe: {  	[smem:$0x3FAE] =	sst s6  }
0xf: {  	[smem:$0x3FAF] =	sst s7  }
0x10: {  	[smem:$0x3FB0] =	sst s8  }
0x11: {  	[smem:$0x3FB1] =	sst s9;
	s0 =	simm.s32 @!p0 $0x0  }
0x12: {  	s1 =	sld [smem:$0x3F97];
	s0 =	simm.s32 @p0 $0x1  }
0x13: {  	[smem:$0x3FB2] =	sst s0;
	s0 =	simm.s32 @!p1 $0x0  }
0x14: {  	s2 =	sld [smem:$0x3F96];
	s0 =	simm.s32 @p1 $0x1  }
0x15: {  	[smem:$0x3FB3] =	sst s0;
	s0 =	simm.s32 @!p2 $0x0  }
0x16: {  	s3 =	sld [smem:$0x3FDB];
	s0 =	simm.s32 @p2 $0x1  }
0x17: {  	s4 =	simm.s32 $0x1BF5;
	[smem:$0x3FB5] =	sst s0  }
0x18: {  	s0 =	sld [smem:$0x3F98];
	_ =	swait.ge [sflag:s4], $0x0  }
0x19: {  	s7 =	sld [smem:$0x3F99]  }
0x1a: {  	s8 =	sadd.s32 $0xFFFFE003, lr  }
0x1b: {  	s9 =	sadd.s32 $0xFFFFFEF7, lr;
	s5 =	simm.s32 $0xFFFFFFFF;
	p2 =	slt.u32 s8, $0xFFFFF086  }
0x1c: {  	p1 =	slt.u32 s9, $0xF7A;
	s5 =	simm.s32 @!p2 $0x0  }
0x1d: {  	s5 =	simm.s32 @p1 $0x1;
	p0 =	seq.s32 s7, s2  }
0x1e: {  	s7 =	smul.u32 @!p0 $0xF7A, s2;
	p2 =	seq.s32 @!p0 s5, $0x0  }
0x1f: {  	s9 =	smul.u32 $0xF7A, s1;
	s8 =	simm.s32 @!p0 $0x1BF5;
	p2 =	por !p2, p0  }
0x20: {  	[sflag:s8] =	ssyncset.s32 @!p0 $0xFFFFF086;
	s6 =	sadd.s32 @!p0 s3, s7;
	s7 =	simm.s32 @!p0 $0x108  }
0x21: {  	s3 =	sadd.s32 s3, s9;
	s6 =	sadd.s32 @!p0 $0x88, s6;
	s7 =	simm.s32 @p2 $0x1082  }
0x22: {  	[simem:s7], [sflag:s8] =	dma.local @!p0 [hbm:s6], $0xF7A  }
0x23: {  	s9 =	sor.u32 $0xD0000000, s2;
	s6 =	simm.s32 $0x108;
	_ =	swait.ge @!p0 [sflag:s8], $0x0  }
0x24: {  	s3 =	sadd.s32 $0x88, s3;
	s6 =	simm.s32 @!p1 $0x1082;
	[sflag:s4] =	ssyncset.s32 $0xFFFFF086  }
0x25: {  	[simem:s6], [sflag:s4] =	dma.local [hbm:s3], $0xF7A  }
0x26: {  	[smem:$0x3F99] =	sst s1;
	(tag) =	ssettag s2;
	_ =	strace s9  }
0x27: {  	s1 =	sld [smem:$0x3FA9]  }
0x28: {  	s2 =	sld [smem:$0x3FAA]  }
0x29: {  	s4 =	sld [smem:$0x3FAC]  }
0x2a: {  	p0 =	seq.s32 s5, $0x0;
	s5 =	sld [smem:$0x3FAD]  }
0x2b: {  	s6 =	sld [smem:$0x3FAE]  }
0x2c: {  	s7 =	sld [smem:$0x3FAF]  }
0x2d: {  	s3 =	simm.s32 $0x108;
	s8 =	sld [smem:$0x3FB0]  }
0x2e: {  	s3 =	simm.s32 @!p0 $0x1082;
	s9 =	sld [smem:$0x3FB1]  }
0x2f: {  	lr =	sadd.s32 s0, s3;
	s0 =	sld [smem:$0x3FA8]  }
0x30: {  	s3 =	sld [smem:$0x3FAB]  }
0x31: {  	[smem:$0x3FB4] =	sst s10  }
0x32: {  	s10 =	sld [smem:$0x3FB2];
	_ =	sdelay $0x3  }
0x33: {  	p0 =	seq.s32 s10, $0x1;
	s10 =	sld [smem:$0x3FB4];
	_ =	sdelay $0x3  }
0x34: {  	[smem:$0x3FB4] =	sst s10  }
0x35: {  	s10 =	sld [smem:$0x3FB3];
	_ =	sdelay $0x3  }
0x36: {  	p1 =	seq.s32 s10, $0x1;
	s10 =	sld [smem:$0x3FB4];
	_ =	sdelay $0x3  }
0x37: {  	[smem:$0x3FB4] =	sst s10  }
0x38: {  	s10 =	sld [smem:$0x3FB5]  }
0x39: {  	_ = 	snop;
	(pc) =	sbr.ind lr, $3  }
0x3a: {  	_ = 	snop  }
0x3b: {  	_ = 	snop  }
0x3c: {  	p2 =	seq.s32 s10, $0x1;
	s10 =	sld [smem:$0x3FB4]  }
0x3d: {  	_ =	shalt  }
0x3e: {  	_ =	shalt  }
0x3f: {  	_ =	shalt  }
0x40: {  	_ =	shalt  }
0x41: {  	_ =	shalt  }
0x42: {  	_ =	shalt  }
0x43: {  	_ =	shalt  }
0x44: {  	_ =	shalt  }
0x45: {  	_ =	shalt  }
0x46: {  	_ =	shalt  }
0x47: {  	_ =	shalt  }
0x48: {  	_ =	shalt  }
0x49: {  	_ =	shalt  }
0x4a: {  	_ =	shalt  }
0x4b: {  	_ =	shalt  }
0x4c: {  	_ =	shalt  }
0x4d: {  	_ =	shalt  }
0x4e: {  	_ =	shalt  }
0x4f: {  	_ =	shalt  }
0x50: {  	_ =	shalt  }
0x51: {  	_ =	shalt  }
0x52: {  	_ =	shalt  }
0x53: {  	_ =	shalt  }
0x54: {  	_ =	shalt  }
0x55: {  	_ =	shalt  }
0x56: {  	_ =	shalt  }
0x57: {  	_ =	shalt  }
0x58: {  	_ =	shalt  }
0x59: {  	_ =	shalt  }
0x5a: {  	_ =	shalt  }
0x5b: {  	_ =	shalt  }
0x5c: {  	_ =	shalt  }
0x5d: {  	_ =	shalt  }
0x5e: {  	_ =	shalt  }
0x5f: {  	_ =	shalt  }
0x60: {  	_ =	shalt  }
0x61: {  	_ =	shalt  }
0x62: {  	_ =	shalt  }
0x63: {  	_ =	shalt  }
0x64: {  	_ =	shalt  }
0x65: {  	_ =	shalt  }
0x66: {  	_ =	shalt  }
0x67: {  	_ =	shalt  }
0x68: {  	_ =	shalt  }
0x69: {  	_ =	shalt  }
0x6a: {  	_ =	shalt  }
0x6b: {  	_ =	shalt  }
0x6c: {  	_ =	shalt  }
0x6d: {  	_ =	shalt  }
0x6e: {  	_ =	shalt  }
0x6f: {  	_ =	shalt  }
0x70: {  	_ =	shalt  }
0x71: {  	_ =	shalt  }
0x72: {  	_ =	shalt  }
0x73: {  	_ =	shalt  }
0x74: {  	_ =	shalt  }
0x75: {  	_ =	shalt  }
0x76: {  	_ =	shalt  }
0x77: {  	_ =	shalt  }
0x78: {  	_ =	shalt  }
0x79: {  	_ =	shalt  }
0x7a: {  	_ =	shalt  }
0x7b: {  	_ =	shalt  }
0x7c: {  	_ =	shalt  }
0x7d: {  	_ =	shalt  }
0x7e: {  	_ =	shalt  }
0x7f: {  	_ =	shalt  }
0x80: {  	_ =	shalt  }
0x81: {  	_ =	shalt  }
0x82: {  	_ =	shalt  }
0x83: {  	_ =	shalt  }
0x84: {  	_ =	shalt  }
0x85: {  	_ =	shalt  }
0x86: {  	_ =	shalt  }
0x87: {  	_ =	shalt  }
.Lfunc_end0:
.L_simem_size_0:
called_computation_lowered:
.L_overlay_start_0:
0x88: {  	s2 =	sld [smem:$0x3FD9]  }
0x89: {  	s3 =	sld [smem:$0x3FFE];
	_ =	sdelay $0x1  }
0x8a: {  	s1 =	srdreg.scid  }
0x8b: {  	s0 =	sand.u32 $0x1, s1  }
0x8c: {  	s15 =	sshll.u32 s0, $0xA;
	s2 =	sadd.s32 s3, s2  }
0x8d: {  	s2 =	sadd.s32 s2, s15  }
0x8e: {  	[smem:$0x3FC0] =	sst s2  }
0x8f: {  	_ = 	snop  }
0x90: {  	s2 =	sld [smem:$0x3FD0];
	_ =	sdelay $0x2  }
0x91: {  	s4 =	simm.s32 $0xA;
	s5 =	simm.s32 $0x10;
	s16 =	sld [smem:$0x3FC3]  }
0x92: {  	[smem:s5], [sflag:s4] =	dma.local [hbm:s2], $0x1  }
0x93: {  	_ =	swait.eq [sflag:s4], $0x1  }
0x94: {  	[sflag:s4] =	ssyncset.done $0x0  }
0x95: {  	s17 =	sld [smem:$0x10];
	[sflag:s4] =	ssyncadd.s32 $0xFFFFFFFF  }
0x96: {  	s18 =	sld [smem:$0x15];
	(tm) =	ssettm $0x1  }
0x97: {  	s19 =	sld [smem:$0x3FFB];
	_ =	sdelay $0x3  }
0x98: {  	_ =	strace s19  }
0x99: {  	s5 =	sld [smem:$0x3FFC];
	_ =	sdelay $0x3  }
0x9a: {  	_ =	strace s5  }
0x9b: {  	s5 =	sld [smem:$0x3FFD];
	_ =	sdelay $0x3  }
0x9c: {  	_ =	strace s5  }
0x9d: {  	_ =	strace $0x8FFFFFFF  }
0x9e: {  	s20 =	sld [smem:$0x3FDB];
	_ =	sdelay $0x1  }
0x9f: {  	s6 =	simm.s32 $_scs_section_size  }
0xa0: {  	s7 =	simm.s32 $_size__tile_overlayer_lowered;
	s8 =	simm.s32 $_tile_overlayer_lowered  }
0xa1: {  	s23 =	simm.s32 $0x1BFF;
	s22 =	sshll.u32 s8, $0x1;
	s5 =	sadd.s32 s6, s20  }
0xa2: {  	s9 =	simm.s32 $0x0;
	s21 =	sshll.u32 s7, $0x1;
	s7 =	sadd.s32 s22, s5  }
0xa3: {  	[timem:s9], [sflag:s23] =	dma.local [hbm:s7], s21  }
0xa4: {  	_ =	swait.ge [sflag:s23], s21  }
0xa5: {  	s6 =	ssub.s32 $0x0, s21;
	[sflag:s23] =	ssyncset.done $0x0  }
0xa6: {  	[sflag:s23] =	ssyncadd.s32 s6;
	_ =	sdelay $0x1  }
0xa7: {  	s24 =	simm.s32 $0x1B8B  }
0xa8: {  	_ =	swait.ge [sflag:s24], $0x1  }
0xa9: {  	[sflag:s24] =	ssyncset.done $0x0  }
0xaa: {  	s25 =	simm.s32 $0x1B8E;
	[sflag:s24] =	ssyncadd.s32 $0xFFFFFFFF  }
0xab: {  	s26 =	simm.s32 $execute0_lowered;
	[smem:$0x3FD2] =	sst s25  }
0xac: {  	s6 =	sshll.u32 s26, $0x1;
	_ =	strace $0x80000046;
	[dreg:$0x1] =	wrdreg $0xFFFFFFFF  }
0xad: {  	s28 =	simm.s32 $_size_execute0_lowered;
	s5 =	sadd.s32 s5, s6;
	[dreg:$0x0] =	wrdreg $0x0  }
0xae: {  	s6 =	sshll.u32 s28, $0x1;
	[dreg:$0x2] =	wrdreg s5  }
0xaf: {  	[dreg:$0x3] =	wrdreg s6  }
0xb0: {  	[dreg:$0x4] =	wrdreg $0xC0  }
0xb1: {  	_ =	task [dreg:s9], $0x5FFFF  }
0xb2: {  	[dreg:$0x1] =	wrdreg $0xFFFFFFFF  }
0xb3: {  	[dreg:$0x0] =	wrdreg $0x60  }
0xb4: {  	[dreg:$0x2] =	wrdreg s16  }
0xb5: {  	[dreg:$0x3] =	wrdreg s18  }
0xb6: {  	[dreg:$0x4] =	wrdreg s17  }
0xb7: {  	[dreg:$0x5] =	wrdreg $0x9  }
0xb8: {  	_ =	task.clear_ibuf [dreg:s9], $0x6FFFF;
	_ =	strace $0x90000046  }
0xb9: {  	s29 =	simm.s32 $0x9;
	_ =	strace $0x80000048  }
0xba: {  	_ =	swait.ge [sflag:s29], $0x1  }
0xbb: {  	[sflag:s29] =	ssyncadd.s32 $0xFFFFFFFF  }
0xbc: {  	_ =	strace $0x90000048  }
0xbd: {  	_ =	sfence  }
0xbe: {  	s30 =	sld [smem:$0x0];
	_ =	sdelay $0x2  }
0xbf: {  	s31 =	sshll.u32 s1, $0xD;
	s1 =	sshrl.u32 s1, $0x2  }
0xc0: {  	s3 =	sand.u32 $0x4000, s31;
	s1 =	sadd.s32 s1, s30  }
0xc1: {  	s0 =	sor.u32 s3, s0;
	s1 =	sshll.u32 s1, $0x11  }
0xc2: {  	s0 =	sor.u32 s1, s0  }
0xc3: {  	s0 =	sadd.s32 $0x8F2B, s0  }
0xc4: {  	[sflag:s0] =	ssyncadd.remote.s32 $0x1  }
0xc5: {  	_ =	sfence.sel $0xFFFF  }
0xc6: {  	[dreg:$0x0] =	wrdreg $0xFFFFFFFF;
	(pc) =	sbr.abs _section_cstart, $3  }
0xc7: {  	[dreg:$0x1] =	wrdreg $0xFFFFFFFF  }
0xc8: {  	_ =	task.clear_ibuf [dreg:s9], $0x2FFFF;
	_ =	strace $0x9FFFFFFF  }
0xc9: {  	(tm) =	ssettm $0x7FFFFFFF  }
tec
execute0_lowered:
.L_overlay_start_1:
0x0: {  	(tag) =	ssettag $0x1  }
0x1: {  	s1 =	rddreg [dreg:$0x0]  }
0x2: {  	s0 =	rddreg [dreg:$0x1]  }
0x3: {  	s2 =	rddreg [dreg:$0x2]  }
0x4: {  	s3 =	srdreg.scid;
	s5 =	stileid.u32  }
0x5: {  	s9 =	simm.s32 $0x2;
	s19 =	simm.s32 $0x1;
	s21 =	simm.s32 $0x880  }
0x6: {  	s22 =	simm.s32 $0x1080;
	s23 =	simm.s32 $0x1880;
	s24 =	simm.s32 $0x2080  }
0x7: {  	s28 =	simm.s32 $0x3880;
	s29 =	simm.s32 $0x4080;
	s30 =	simm.s32 $0x4880  }
0x8: {  	s31 =	simm.s32 $0x5080;
	s11 =	simm.s32 $0x6880;
	s12 =	simm.s32 $0x7080  }
0x9: {  	s13 =	simm.s32 $0x7880;
	s14 =	simm.s32 $0x8880;
	s15 =	simm.s32 $0x9080  }
0xa: {  	s16 =	simm.s32 $0x9880;
	s17 =	simm.s32 $0xA080;
	s18 =	simm.s32 $0xA880  }
0xb: {  	s10 =	simm.s32 $0xB080;
	s4 =	sand.u32 $0x1, s3;
	s3 =	simm.s32 $0x0  }
0xc: {  	s5 =	sshll.u32 s5, $0x8;
	s6 =	sshll.u32 s4, $0x7;
	[smem:$0x7FF] =	sst s3  }
0xd: {  	s4 =	ssub.s32 $0x2, s4;
	s5 =	sor.u32 s6, s5;
	_ =	strace $0x80000047  }
0xe: {  	s25 =	sshrl.u32 s4, $0x1;
	s6 =	sadd.s32 $0x200, s1;
	s7 =	sshrl.u32 s5, $0x3  }
0xf: {  	s8 =	ssub.s32 s4, s25;
	s5 =	sshll.u32 s5, $0x7;
	s4 =	sadd.s32 $0x100, s1  }
0x10: {  	s25 =	simm.s32 $0x2880;
	s0 =	sadd.s32 s0, s7;
	s26 =	sadd.s32 s2, s5  }
0x11: {  	v2 =	vlaneseq.u32;
	s7 =	sadd.s32 $0x300, s1;
	s8 =	smax.u32 s8, $0x1;
	[dreg:$0x4] =	wrdreg s0  }
0x12: {  	vm0 =	vmmov $0xffff;
	v1 =	vshrl.u32 v2, $0x3;
	s5 =	simm.s32 $0x8080;
	[dreg:$0x6] =	wrdreg s26;
	s0 =	sadd.s32 $0x2000, s26  }
0x13: {  	v0 =	vand.u32 $0x7, v2;
	v2 =	vor.u32 $0x8, v2;
	v1 =	vmul.u32 $0x8, v1;
	s26 =	simm.s32 $0x3080;
	[dreg:$0x5] =	wrdreg s0;
	s0 =	simm.s32 $0x80  }
.LBB2_1:
0x14: {  	s20 =	rddreg [dreg:$0x4]  }
0x15: {  	[tilespmem:s3], [sflag:$0x2] =	stream.linear.gather [hbm4b:s20+s3], $0x80, $0x38;
	[tilespmem:$0x10080] =	vst v63  }
0x16: {  	_ =	swait.ge [sflag:s9], $0x80  }
0x17: {  	[sflag:s9] =	ssyncset.done $0x0  }
0x18: {  	[sflag:s9] =	ssyncadd.s32 $0xFFFFFF80  }
0x19: {  	v3 =	vld [tilespmem:$0x0];
	_ =	sdelay $0x4  }
0x1a: {  	v4 =	vshll.u32 v3, $0x3  }
0x1b: {  	v3 =	vand.u32 $0x7, v3;
	v4 =	vand.u32 $0xFFFFFFC0, v4  }
0x1c: {  	v3 =	vor.u32 v3, v4  }
0x1d: {  	v4 =	vperm.xlane v3, v0;
	_ =	sdelay $0x1  }
0x1e: {  	v4 =	vadd.s32 v1, v4;
	_ =	sdelay $0x4  }
0x1f: {  	[tilespmem:s0], [sflag:$0x1] =	stream.indirect_vreg.gather [hbm4b:s1+s3], $0x80, v4, vm0, $0xb8;
	[tilespmem:$0x10080] =	vst v63  }
0x20: {  	v3 =	vperm.xlane v3, v2  }
0x21: {  	[tilespmem:s21], [sflag:$0x1] =	stream.indirect_vreg.gather [hbm4b:s4+s3], $0x80, v4, vm0, $0xb8;
	[tilespmem:$0x10080] =	vst v63  }
0x22: {  	v3 =	vadd.s32 v1, v3  }
0x23: {  	[tilespmem:s22], [sflag:$0x1] =	stream.indirect_vreg.gather [hbm4b:s6+s3], $0x80, v4, vm0, $0xb8;
	[tilespmem:$0x10080] =	vst v63  }
0x24: {  	_ = 	snop  }
0x25: {  	[tilespmem:s23], [sflag:$0x1] =	stream.indirect_vreg.gather [hbm4b:s7+s3], $0x80, v4, vm0, $0xb8;
	[tilespmem:$0x10080] =	vst v63  }
0x26: {  	_ = 	snop  }
0x27: {  	[tilespmem:s24], [sflag:$0x1] =	stream.indirect_vreg.gather [hbm4b:s1+s3], $0x80, v3, vm0, $0xb8;
	[tilespmem:$0x10080] =	vst v63  }
0x28: {  	_ = 	snop  }
0x29: {  	[tilespmem:s25], [sflag:$0x1] =	stream.indirect_vreg.gather [hbm4b:s4+s3], $0x80, v3, vm0, $0xb8;
	[tilespmem:$0x10080] =	vst v63  }
0x2a: {  	_ = 	snop  }
0x2b: {  	[tilespmem:s26], [sflag:$0x1] =	stream.indirect_vreg.gather [hbm4b:s6+s3], $0x80, v3, vm0, $0xb8;
	[tilespmem:$0x10080] =	vst v63  }
0x2c: {  	_ = 	snop  }
0x2d: {  	[tilespmem:s28], [sflag:$0x1] =	stream.indirect_vreg.gather [hbm4b:s7+s3], $0x80, v3, vm0, $0xb8;
	[tilespmem:$0x10080] =	vst v63  }
0x2e: {  	v3 =	vld [tilespmem:$0x10];
	_ =	sdelay $0x4  }
0x2f: {  	v57 =	vshll.u32 v3, $0x3  }
0x30: {  	v3 =	vand.u32 $0x7, v3;
	v4 =	vand.u32 $0xFFFFFFC0, v57  }
0x31: {  	v3 =	vor.u32 v3, v4  }
0x32: {  	v4 =	vperm.xlane v3, v0;
	_ =	sdelay $0x1  }
0x33: {  	v4 =	vadd.s32 v1, v4;
	_ =	sdelay $0x4  }
0x34: {  	[tilespmem:s29], [sflag:$0x1] =	stream.indirect_vreg.gather [hbm4b:s1+s3], $0x80, v4, vm0, $0xb8;
	[tilespmem:$0x10080] =	vst v63  }
0x35: {  	v3 =	vperm.xlane v3, v2  }
0x36: {  	[tilespmem:s30], [sflag:$0x1] =	stream.indirect_vreg.gather [hbm4b:s4+s3], $0x80, v4, vm0, $0xb8;
	[tilespmem:$0x10080] =	vst v63  }
0x37: {  	v3 =	vadd.s32 v1, v3  }
0x38: {  	[tilespmem:s31], [sflag:$0x1] =	stream.indirect_vreg.gather [hbm4b:s6+s3], $0x80, v4, vm0, $0xb8;
	[tilespmem:$0x10080] =	vst v63  }
0x39: {  	s2 =	simm.s32 $0x5880  }
0x3a: {  	[tilespmem:s2], [sflag:$0x1] =	stream.indirect_vreg.gather [hbm4b:s7+s3], $0x80, v4, vm0, $0xb8;
	[tilespmem:$0x10080] =	vst v63  }
0x3b: {  	s2 =	simm.s32 $0x6080  }
0x3c: {  	[tilespmem:s2], [sflag:$0x1] =	stream.indirect_vreg.gather [hbm4b:s1+s3], $0x80, v3, vm0, $0xb8;
	[tilespmem:$0x10080] =	vst v63  }
0x3d: {  	_ = 	snop  }
0x3e: {  	[tilespmem:s11], [sflag:$0x1] =	stream.indirect_vreg.gather [hbm4b:s4+s3], $0x80, v3, vm0, $0xb8;
	[tilespmem:$0x10080] =	vst v63  }
0x3f: {  	_ = 	snop  }
0x40: {  	[tilespmem:s12], [sflag:$0x1] =	stream.indirect_vreg.gather [hbm4b:s6+s3], $0x80, v3, vm0, $0xb8;
	[tilespmem:$0x10080] =	vst v63  }
0x41: {  	_ = 	snop  }
0x42: {  	[tilespmem:s13], [sflag:$0x1] =	stream.indirect_vreg.gather [hbm4b:s7+s3], $0x80, v3, vm0, $0xb8;
	[tilespmem:$0x10080] =	vst v63  }
0x43: {  	v3 =	vld [tilespmem:$0x20];
	_ =	sdelay $0x4  }
0x44: {  	v58 =	vshll.u32 v3, $0x3  }
0x45: {  	v3 =	vand.u32 $0x7, v3;
	v4 =	vand.u32 $0xFFFFFFC0, v58  }
0x46: {  	v3 =	vor.u32 v3, v4  }
0x47: {  	v4 =	vperm.xlane v3, v0;
	_ =	sdelay $0x1  }
0x48: {  	v4 =	vadd.s32 v1, v4;
	_ =	sdelay $0x4  }
0x49: {  	[tilespmem:s5], [sflag:$0x1] =	stream.indirect_vreg.gather [hbm4b:s1+s3], $0x80, v4, vm0, $0xb8;
	[tilespmem:$0x10080] =	vst v63  }
0x4a: {  	v3 =	vperm.xlane v3, v2  }
0x4b: {  	[tilespmem:s14], [sflag:$0x1] =	stream.indirect_vreg.gather [hbm4b:s4+s3], $0x80, v4, vm0, $0xb8;
	[tilespmem:$0x10080] =	vst v63  }
0x4c: {  	v3 =	vadd.s32 v1, v3  }
0x4d: {  	[tilespmem:s15], [sflag:$0x1] =	stream.indirect_vreg.gather [hbm4b:s6+s3], $0x80, v4, vm0, $0xb8;
	[tilespmem:$0x10080] =	vst v63  }
0x4e: {  	_ = 	snop  }
0x4f: {  	[tilespmem:s16], [sflag:$0x1] =	stream.indirect_vreg.gather [hbm4b:s7+s3], $0x80, v4, vm0, $0xb8;
	[tilespmem:$0x10080] =	vst v63  }
0x50: {  	_ = 	snop  }
0x51: {  	[tilespmem:s17], [sflag:$0x1] =	stream.indirect_vreg.gather [hbm4b:s1+s3], $0x80, v3, vm0, $0xb8;
	[tilespmem:$0x10080] =	vst v63  }
0x52: {  	_ = 	snop  }
0x53: {  	[tilespmem:s18], [sflag:$0x1] =	stream.indirect_vreg.gather [hbm4b:s4+s3], $0x80, v3, vm0, $0xb8;
	[tilespmem:$0x10080] =	vst v63  }
0x54: {  	_ = 	snop  }
0x55: {  	[tilespmem:s10], [sflag:$0x1] =	stream.indirect_vreg.gather [hbm4b:s6+s3], $0x80, v3, vm0, $0xb8;
	[tilespmem:$0x10080] =	vst v63  }
0x56: {  	s20 =	simm.s32 $0xB880  }
0x57: {  	[tilespmem:s20], [sflag:$0x1] =	stream.indirect_vreg.gather [hbm4b:s7+s3], $0x80, v3, vm0, $0xb8;
	[tilespmem:$0x10080] =	vst v63  }
0x58: {  	v3 =	vld [tilespmem:$0x30];
	_ =	sdelay $0x4  }
0x59: {  	v59 =	vshll.u32 v3, $0x3  }
0x5a: {  	v3 =	vand.u32 $0x7, v3;
	v4 =	vand.u32 $0xFFFFFFC0, v59  }
0x5b: {  	v3 =	vor.u32 v3, v4  }
0x5c: {  	v4 =	vperm.xlane v3, v0;
	_ =	sdelay $0x1  }
0x5d: {  	v4 =	vadd.s32 v1, v4;
	_ =	sdelay $0x3  }
0x5e: {  	s20 =	simm.s32 $0xC080  }
0x5f: {  	[tilespmem:s20], [sflag:$0x1] =	stream.indirect_vreg.gather [hbm4b:s1+s3], $0x80, v4, vm0, $0xb8;
	[tilespmem:$0x10080] =	vst v63  }
0x60: {  	v3 =	vperm.xlane v3, v2;
	s20 =	simm.s32 $0xC880  }
0x61: {  	[tilespmem:s20], [sflag:$0x1] =	stream.indirect_vreg.gather [hbm4b:s4+s3], $0x80, v4, vm0, $0xb8;
	[tilespmem:$0x10080] =	vst v63  }
0x62: {  	v3 =	vadd.s32 v1, v3;
	s20 =	simm.s32 $0xD080  }
0x63: {  	[tilespmem:s20], [sflag:$0x1] =	stream.indirect_vreg.gather [hbm4b:s6+s3], $0x80, v4, vm0, $0xb8;
	[tilespmem:$0x10080] =	vst v63  }
0x64: {  	s20 =	simm.s32 $0xD880  }
0x65: {  	[tilespmem:s20], [sflag:$0x1] =	stream.indirect_vreg.gather [hbm4b:s7+s3], $0x80, v4, vm0, $0xb8;
	[tilespmem:$0x10080] =	vst v63  }
0x66: {  	s20 =	simm.s32 $0xE080  }
0x67: {  	[tilespmem:s20], [sflag:$0x1] =	stream.indirect_vreg.gather [hbm4b:s1+s3], $0x80, v3, vm0, $0xb8;
	[tilespmem:$0x10080] =	vst v63  }
0x68: {  	s20 =	simm.s32 $0xE880  }
0x69: {  	[tilespmem:s20], [sflag:$0x1] =	stream.indirect_vreg.gather [hbm4b:s4+s3], $0x80, v3, vm0, $0xb8;
	[tilespmem:$0x10080] =	vst v63  }
0x6a: {  	s20 =	simm.s32 $0xF080  }
0x6b: {  	[tilespmem:s20], [sflag:$0x1] =	stream.indirect_vreg.gather [hbm4b:s6+s3], $0x80, v3, vm0, $0xb8;
	[tilespmem:$0x10080] =	vst v63  }
0x6c: {  	s20 =	simm.s32 $0xF880  }
0x6d: {  	[tilespmem:s20], [sflag:$0x1] =	stream.indirect_vreg.gather [hbm4b:s7+s3], $0x80, v3, vm0, $0xb8;
	[tilespmem:$0x10080] =	vst v63  }
0x6e: {  	_ =	swait.ge [sflag:s19], $0x10000  }
0x6f: {  	[sflag:s19] =	ssyncset.done $0x0  }
0x70: {  	s20 =	rddreg [dreg:$0x6];
	[sflag:s19] =	ssyncadd.s32 $0xFFFF0000  }
0x71: {  	[hbm4b:s20+s3] =	stream.linear.scatter [tilespmem:s0], [sflag:$0x2], $0x10000, $0x38;
	[tilespmem:$0x10080] =	vst v63  }
0x72: {  	_ =	swait.ge [sflag:s9], $0x10000  }
0x73: {  	[sflag:s9] =	ssyncset.done $0x0  }
0x74: {  	[sflag:s9] =	ssyncadd.s32 $0xFFFF0000  }
0x75: {  	v3 =	vld [tilespmem:$0x40];
	_ =	sdelay $0x4  }
0x76: {  	v60 =	vshll.u32 v3, $0x3  }
0x77: {  	v3 =	vand.u32 $0x7, v3;
	v4 =	vand.u32 $0xFFFFFFC0, v60  }
0x78: {  	v3 =	vor.u32 v3, v4  }
0x79: {  	v4 =	vperm.xlane v3, v0;
	_ =	sdelay $0x1  }
0x7a: {  	v4 =	vadd.s32 v1, v4;
	_ =	sdelay $0x4  }
0x7b: {  	[tilespmem:s0], [sflag:$0x1] =	stream.indirect_vreg.gather [hbm4b:s1+s3], $0x80, v4, vm0, $0xb8;
	[tilespmem:$0x10080] =	vst v63  }
0x7c: {  	v3 =	vperm.xlane v3, v2  }
0x7d: {  	[tilespmem:s21], [sflag:$0x1] =	stream.indirect_vreg.gather [hbm4b:s4+s3], $0x80, v4, vm0, $0xb8;
	[tilespmem:$0x10080] =	vst v63  }
0x7e: {  	v3 =	vadd.s32 v1, v3  }
0x7f: {  	[tilespmem:s22], [sflag:$0x1] =	stream.indirect_vreg.gather [hbm4b:s6+s3], $0x80, v4, vm0, $0xb8;
	[tilespmem:$0x10080] =	vst v63  }
0x80: {  	_ = 	snop  }
0x81: {  	[tilespmem:s23], [sflag:$0x1] =	stream.indirect_vreg.gather [hbm4b:s7+s3], $0x80, v4, vm0, $0xb8;
	[tilespmem:$0x10080] =	vst v63  }
0x82: {  	_ = 	snop  }
0x83: {  	[tilespmem:s24], [sflag:$0x1] =	stream.indirect_vreg.gather [hbm4b:s1+s3], $0x80, v3, vm0, $0xb8;
	[tilespmem:$0x10080] =	vst v63  }
0x84: {  	_ = 	snop  }
0x85: {  	[tilespmem:s25], [sflag:$0x1] =	stream.indirect_vreg.gather [hbm4b:s4+s3], $0x80, v3, vm0, $0xb8;
	[tilespmem:$0x10080] =	vst v63  }
0x86: {  	_ = 	snop  }
0x87: {  	[tilespmem:s26], [sflag:$0x1] =	stream.indirect_vreg.gather [hbm4b:s6+s3], $0x80, v3, vm0, $0xb8;
	[tilespmem:$0x10080] =	vst v63  }
0x88: {  	_ = 	snop  }
0x89: {  	[tilespmem:s28], [sflag:$0x1] =	stream.indirect_vreg.gather [hbm4b:s7+s3], $0x80, v3, vm0, $0xb8;
	[tilespmem:$0x10080] =	vst v63  }
0x8a: {  	v3 =	vld [tilespmem:$0x50];
	_ =	sdelay $0x4  }
0x8b: {  	v61 =	vshll.u32 v3, $0x3  }
0x8c: {  	v3 =	vand.u32 $0x7, v3;
	v4 =	vand.u32 $0xFFFFFFC0, v61  }
0x8d: {  	v3 =	vor.u32 v3, v4  }
0x8e: {  	v4 =	vperm.xlane v3, v0;
	_ =	sdelay $0x1  }
0x8f: {  	v4 =	vadd.s32 v1, v4;
	_ =	sdelay $0x4  }
0x90: {  	[tilespmem:s29], [sflag:$0x1] =	stream.indirect_vreg.gather [hbm4b:s1+s3], $0x80, v4, vm0, $0xb8;
	[tilespmem:$0x10080] =	vst v63  }
0x91: {  	v3 =	vperm.xlane v3, v2  }
0x92: {  	[tilespmem:s30], [sflag:$0x1] =	stream.indirect_vreg.gather [hbm4b:s4+s3], $0x80, v4, vm0, $0xb8;
	[tilespmem:$0x10080] =	vst v63  }
0x93: {  	v3 =	vadd.s32 v1, v3  }
0x94: {  	[tilespmem:s31], [sflag:$0x1] =	stream.indirect_vreg.gather [hbm4b:s6+s3], $0x80, v4, vm0, $0xb8;
	[tilespmem:$0x10080] =	vst v63  }
0x95: {  	s20 =	simm.s32 $0x5880  }
0x96: {  	[tilespmem:s20], [sflag:$0x1] =	stream.indirect_vreg.gather [hbm4b:s7+s3], $0x80, v4, vm0, $0xb8;
	[tilespmem:$0x10080] =	vst v63  }
0x97: {  	_ = 	snop  }
0x98: {  	[tilespmem:s2], [sflag:$0x1] =	stream.indirect_vreg.gather [hbm4b:s1+s3], $0x80, v3, vm0, $0xb8;
	[tilespmem:$0x10080] =	vst v63  }
0x99: {  	_ = 	snop  }
0x9a: {  	[tilespmem:s11], [sflag:$0x1] =	stream.indirect_vreg.gather [hbm4b:s4+s3], $0x80, v3, vm0, $0xb8;
	[tilespmem:$0x10080] =	vst v63  }
0x9b: {  	_ = 	snop  }
0x9c: {  	[tilespmem:s12], [sflag:$0x1] =	stream.indirect_vreg.gather [hbm4b:s6+s3], $0x80, v3, vm0, $0xb8;
	[tilespmem:$0x10080] =	vst v63  }
0x9d: {  	_ = 	snop  }
0x9e: {  	[tilespmem:s13], [sflag:$0x1] =	stream.indirect_vreg.gather [hbm4b:s7+s3], $0x80, v3, vm0, $0xb8;
	[tilespmem:$0x10080] =	vst v63  }
0x9f: {  	v3 =	vld [tilespmem:$0x60];
	_ =	sdelay $0x4  }
0xa0: {  	v62 =	vshll.u32 v3, $0x3  }
0xa1: {  	v3 =	vand.u32 $0x7, v3;
	v4 =	vand.u32 $0xFFFFFFC0, v62  }
0xa2: {  	v3 =	vor.u32 v3, v4  }
0xa3: {  	v4 =	vperm.xlane v3, v0;
	_ =	sdelay $0x1  }
0xa4: {  	v4 =	vadd.s32 v1, v4;
	_ =	sdelay $0x4  }
0xa5: {  	[tilespmem:s5], [sflag:$0x1] =	stream.indirect_vreg.gather [hbm4b:s1+s3], $0x80, v4, vm0, $0xb8;
	[tilespmem:$0x10080] =	vst v63  }
0xa6: {  	v3 =	vperm.xlane v3, v2  }
0xa7: {  	[tilespmem:s14], [sflag:$0x1] =	stream.indirect_vreg.gather [hbm4b:s4+s3], $0x80, v4, vm0, $0xb8;
	[tilespmem:$0x10080] =	vst v63  }
0xa8: {  	v3 =	vadd.s32 v1, v3  }
0xa9: {  	[tilespmem:s15], [sflag:$0x1] =	stream.indirect_vreg.gather [hbm4b:s6+s3], $0x80, v4, vm0, $0xb8;
	[tilespmem:$0x10080] =	vst v63  }
0xaa: {  	_ = 	snop  }
0xab: {  	[tilespmem:s16], [sflag:$0x1] =	stream.indirect_vreg.gather [hbm4b:s7+s3], $0x80, v4, vm0, $0xb8;
	[tilespmem:$0x10080] =	vst v63  }
0xac: {  	_ = 	snop  }
0xad: {  	[tilespmem:s17], [sflag:$0x1] =	stream.indirect_vreg.gather [hbm4b:s1+s3], $0x80, v3, vm0, $0xb8;
	[tilespmem:$0x10080] =	vst v63  }
0xae: {  	_ = 	snop  }
0xaf: {  	[tilespmem:s18], [sflag:$0x1] =	stream.indirect_vreg.gather [hbm4b:s4+s3], $0x80, v3, vm0, $0xb8;
	[tilespmem:$0x10080] =	vst v63  }
0xb0: {  	_ = 	snop  }
0xb1: {  	[tilespmem:s10], [sflag:$0x1] =	stream.indirect_vreg.gather [hbm4b:s6+s3], $0x80, v3, vm0, $0xb8;
	[tilespmem:$0x10080] =	vst v63  }
0xb2: {  	s20 =	simm.s32 $0xB880  }
0xb3: {  	[tilespmem:s20], [sflag:$0x1] =	stream.indirect_vreg.gather [hbm4b:s7+s3], $0x80, v3, vm0, $0xb8;
	[tilespmem:$0x10080] =	vst v63  }
0xb4: {  	v3 =	vld [tilespmem:$0x70];
	_ =	sdelay $0x4  }
0xb5: {  	v63 =	vshll.u32 v3, $0x3  }
0xb6: {  	v3 =	vand.u32 $0x7, v3;
	v4 =	vand.u32 $0xFFFFFFC0, v63  }
0xb7: {  	v3 =	vor.u32 v3, v4  }
0xb8: {  	v4 =	vperm.xlane v3, v0;
	_ =	sdelay $0x1  }
0xb9: {  	v4 =	vadd.s32 v1, v4;
	_ =	sdelay $0x3  }
0xba: {  	s20 =	simm.s32 $0xC080  }
0xbb: {  	[tilespmem:s20], [sflag:$0x1] =	stream.indirect_vreg.gather [hbm4b:s1+s3], $0x80, v4, vm0, $0xb8;
	[tilespmem:$0x10080] =	vst v63  }
0xbc: {  	v3 =	vperm.xlane v3, v2;
	s20 =	simm.s32 $0xC880  }
0xbd: {  	[tilespmem:s20], [sflag:$0x1] =	stream.indirect_vreg.gather [hbm4b:s4+s3], $0x80, v4, vm0, $0xb8;
	[tilespmem:$0x10080] =	vst v63  }
0xbe: {  	v3 =	vadd.s32 v1, v3;
	s20 =	simm.s32 $0xD080  }
0xbf: {  	[tilespmem:s20], [sflag:$0x1] =	stream.indirect_vreg.gather [hbm4b:s6+s3], $0x80, v4, vm0, $0xb8;
	[tilespmem:$0x10080] =	vst v63  }
0xc0: {  	s20 =	simm.s32 $0xD880  }
0xc1: {  	[tilespmem:s20], [sflag:$0x1] =	stream.indirect_vreg.gather [hbm4b:s7+s3], $0x80, v4, vm0, $0xb8;
	[tilespmem:$0x10080] =	vst v63  }
0xc2: {  	s20 =	simm.s32 $0xE080  }
0xc3: {  	[tilespmem:s20], [sflag:$0x1] =	stream.indirect_vreg.gather [hbm4b:s1+s3], $0x80, v3, vm0, $0xb8;
	[tilespmem:$0x10080] =	vst v63  }
0xc4: {  	s20 =	simm.s32 $0xE880  }
0xc5: {  	[tilespmem:s20], [sflag:$0x1] =	stream.indirect_vreg.gather [hbm4b:s4+s3], $0x80, v3, vm0, $0xb8;
	[tilespmem:$0x10080] =	vst v63  }
0xc6: {  	s20 =	simm.s32 $0xF080  }
0xc7: {  	[tilespmem:s20], [sflag:$0x1] =	stream.indirect_vreg.gather [hbm4b:s6+s3], $0x80, v3, vm0, $0xb8;
	[tilespmem:$0x10080] =	vst v63  }
0xc8: {  	s20 =	simm.s32 $0xF880  }
0xc9: {  	[tilespmem:s20], [sflag:$0x1] =	stream.indirect_vreg.gather [hbm4b:s7+s3], $0x80, v3, vm0, $0xb8;
	[tilespmem:$0x10080] =	vst v63  }
0xca: {  	_ =	swait.ge [sflag:s19], $0x10000  }
0xcb: {  	p0 =	sne.s32 s8, $0x1;
	[sflag:s19] =	ssyncset.done $0x0  }
.Ltmp0:
0xcc: {  	s2 =	rddreg [dreg:$0x5];
	[sflag:s19] =	ssyncadd.s32 $0xFFFF0000;
	(pc) =	sbr.rel @p0 .LBB2_1-.Ltmp0, $4  }
0xcd: {  	[hbm4b:s2+s3] =	stream.linear.scatter [tilespmem:s0], [sflag:$0x2], $0x10000, $0x38;
	[tilespmem:$0x10080] =	vst v63  }
0xce: {  	_ =	swait.ge [sflag:s9], $0x10000  }
0xcf: {  	[sflag:s9] =	ssyncset.done $0x0  }
0xd0: {  	s8 =	sadd.s32 $0xFFFFFFFF, s8;
	[sflag:s9] =	ssyncadd.s32 $0xFFFF0000  }
0xd1: {  	_ =	sfence.sel $0x180000  }
0xd2: {  	[bflag:$0x0] =	sbarrier.arrive $0xFFFF  }
0xd3: {  	_ =	strace $0x90000047  }
0xd4: {  	s0 =	stileid.u32;
	[bflag:$0x2] =	sbarrier.arrive $0xFFFF  }
0xd5: {  	p0 =	sne.s32 s0, $0x0;
	s0 =	rddreg [dreg:$0x3]  }
0xd6: {  	s0 =	sadd.s32 @!p0 $0x100000, s0  }
0xd7: {  	[sflag:s0] =	ssyncadd.tile.s32 @!p0 $0x1;
	_ =	shalt  }
.Lfunc_end2:
_tile_overlayer_lowered:
.L_overlay_start_2:
0xd8: {  	(tag) =	ssettag $0x2  }
0xd9: {  	s0 =	rddreg [dreg:$0x0];
	s2 =	stileid.u32  }
0xda: {  	s1 =	rddreg [dreg:$0x1];
	p0 =	sne.s32 s2, $0x0  }
0xdb: {  	s3 =	rddreg [dreg:$0x2];
	[bflag:$0x3] =	sbarrier.arrive $0xFFFF;
	s2 =	simm.s32 @!p0 $0x1C02  }
0xdc: {  	[timem:s3], [sflag:s2] =	dma.local @!p0 [hbm:s0], s1  }
0xdd: {  	s0 =	simm.s32 @!p0 $0x2  }
0xde: {  	_ =	swait.ge @!p0 [sflag:s0], s1  }
0xdf: {  	s1 =	ssub.s32 @!p0 $0x0, s1;
	[sflag:s0] =	ssyncset.done @!p0 $0x0  }
0xe0: {  	[sflag:s0] =	ssyncadd.s32 @!p0 s1  }
0xe1: {  	[bflag:$0x3] =	sbarrier.arrive $0xFFFF  }
0xe2: {  	_ =	shalt  }

</sc_bundles>
